<compile_context>
chip_gen: v7x
topology: tpu7x:2x2x1
jax: 0.10.2.dev20260603
libtpu: 0.0.44.dev20260713+nightly
codegen_flags: <defaults>
</compile_context>

<pallas_src>
import functools

import jax
import jax.numpy as jnp
from jax import lax
from jax.experimental import pallas as pl
from jax.experimental.pallas import tpu as pltpu
from jax.experimental.pallas import tpu_sc as plsc

B = 16384
N_SG = 231
MAX_VECTS = 192
FLAT = MAX_VECTS * 7
H = 16
D_OUT = 64
D_PAD = 128

NC = 2
NS = 16
NW = NC * NS
BPW = B // NW
CH = 128
NCH = BPW // CH


def _table_body(sv_ref, ps_ref, w_ref, b_ref, esg_ref, eps_ref, ecls_ref, out_ref):
    x = sv_ref[...]
    finite = x == x
    z = jnp.where(finite, x, 0.0)
    rowmod = lax.broadcasted_iota(jnp.int32, (FLAT, 7), 0) % 7
    colid = lax.broadcasted_iota(jnp.int32, (FLAT, 7), 1)
    sel = (rowmod == colid).astype(jnp.float32)
    s = jnp.dot(z, sel, preferred_element_type=jnp.float32)
    syms = jnp.dot(s, w_ref[...], preferred_element_type=jnp.float32)
    cnt = jnp.sum(finite.astype(jnp.float32), axis=1, keepdims=True) / 7.0
    syms = syms + cnt * b_ref[...].reshape(1, H)
    ps_row = jnp.broadcast_to(ps_ref[...], (7, N_SG))
    ohT = (ps_row == lax.broadcasted_iota(jnp.int32, (7, N_SG), 0)).astype(jnp.float32)
    dn = (((0,), (0,)), ((), ()))
    ps_part = lax.dot_general(ohT, eps_ref[...], dn, preferred_element_type=jnp.float32)
    cls_part = lax.dot_general(ohT, ecls_ref[0:7, :], dn, preferred_element_type=jnp.float32)
    pad = jnp.zeros((N_SG, D_PAD - D_OUT), jnp.float32)
    out_ref[...] = jnp.concatenate([syms, ps_part, cls_part, esg_ref[...], pad], axis=1)


_table_call = pl.pallas_call(
    _table_body,
    out_shape=jax.ShapeDtypeStruct((N_SG, D_PAD), jnp.float32),
)


@functools.cache
def _sc_gather_call():
    @functools.partial(
        pl.kernel,
        mesh=plsc.VectorSubcoreMesh(core_axis_name="c", subcore_axis_name="s"),
        out_type=jax.ShapeDtypeStruct((B, D_PAD), jnp.float32),
        scratch_types=[
            pltpu.VMEM((NCH, CH), jnp.int32),
            pltpu.VMEM((BPW, D_PAD), jnp.float32),
            pltpu.SemaphoreType.DMA,
        ],
    )
    def _sc_gather(table_hbm, idx_hbm, out_hbm, idx_v, rows_v, sem):
        wid = lax.axis_index("s") * NC + lax.axis_index("c")
        base = wid * BPW
        for j in range(NCH):
            pltpu.sync_copy(idx_hbm.at[pl.ds(base + j * CH, CH)], idx_v.at[j])
        copies = []
        for j in range(NCH):
            copies.append(
                pltpu.async_copy(
                    table_hbm.at[idx_v.at[j]],
                    rows_v.at[pl.ds(j * CH, CH)],
                    sem,
                )
            )
        for c in copies:
            c.wait()
        pltpu.sync_copy(rows_v, out_hbm.at[pl.ds(base, BPW)])

    return _sc_gather


def kernel(space_group, sg_to_sym_vects, sg_to_ps, W_sym, b_sym, E_sg, E_ps, E_cls):
    sv2 = sg_to_sym_vects.reshape(N_SG, FLAT)
    table = _table_call(sv2, sg_to_ps, W_sym, b_sym, E_sg, E_ps, E_cls)
    return _sc_gather_call()(table, space_group)[:, :D_OUT]

# --- scband reference (transcript-rebuilt; emitter-appended) ---
"""Pipeline reference for scband-space-group-encoder-72146860638741 (READ-ONLY COPY).

The authoritative reference and input builder live on the scoring server;
editing this copy changes nothing except your own understanding.
"""

import jax, jax.numpy as jnp
import numpy as np

B = 16384
N_SG = 231
MAX_VECTS = 192
H = 16
D_SG = 16
D_PS = 16


def _sg_to_ps_np():
    ps = np.full((N_SG,), -1, dtype=np.int32)
    ranges = [(1, 2, 0), (3, 15, 1), (16, 74, 2), (75, 142, 3), (143, 167, 4), (168, 194, 5), (195, 230, 6)]
    for lo, hi, p in ranges:
        ps[lo:hi + 1] = p
    return ps


def setup_inputs(seed: int = 0):
    key = jax.random.key(seed)
    k0, k1, k2, k3, k4 = jax.random.split(key, 5)
    # space group indices in [1, 230]; row 0 is the unused pad row
    space_group = jax.random.randint(k0, (B,), 1, N_SG, dtype=jnp.int32)
    # buffer: precomputed symmetry vectors [231, MAX_VECTS, 7], NaN-padded per space group
    # (stand-in for all_symmetry_vectors(); NaN padding pattern is faithful)
    rng = np.random.RandomState(0)
    sv = rng.randn(N_SG, MAX_VECTS, 7).astype(np.float32)
    n_vects = rng.randint(2, MAX_VECTS + 1, size=(N_SG,))
    n_vects[0] = 0
    pad = np.arange(MAX_VECTS)[None, :] >= n_vects[:, None]
    sv[pad] = np.nan
    sg_to_sym_vects = jnp.asarray(sv)
    sg_to_ps = jnp.asarray(_sg_to_ps_np())
    # parameters: single Linear(7 -> 16) (hiddens=[16], so no SiLU), plus 3 embedding tables
    W_sym = jax.random.normal(k1, (7, H), dtype=jnp.float32) / np.sqrt(7.0)
    b_sym = jnp.zeros((H,), dtype=jnp.float32)
    E_sg = jax.random.normal(k2, (N_SG, D_SG), dtype=jnp.float32)
    E_ps = jax.random.normal(k3, (7, D_PS), dtype=jnp.float32)
    E_cls = jax.random.normal(k4, (9, D_PS), dtype=jnp.float32)
    return {
        "space_group": space_group,
        "sg_to_sym_vects": sg_to_sym_vects,
        "sg_to_ps": sg_to_ps,
        "W_sym": W_sym,
        "b_sym": b_sym,
        "E_sg": E_sg,
        "E_ps": E_ps,
        "E_cls": E_cls,
    }


def reference(space_group, sg_to_sym_vects, sg_to_ps, W_sym, b_sym, E_sg, E_ps, E_cls):
    # embed_symmetries: gather NaN-padded symmetry vectors, linear encode, nansum-aggregate
    vects = jnp.take(sg_to_sym_vects, space_group, axis=0)          # [B, M, 7]
    h = jnp.einsum('bmi,io->bmo', vects, W_sym) + b_sym             # [B, M, H]
    syms = jnp.nansum(h, axis=1)                                    # [B, H]
    # embed_point_symmetry
    ps_idx = jnp.take(sg_to_ps, space_group, axis=0)                # [B]
    ps = jnp.take(E_ps, ps_idx, axis=0)                             # [B, D_PS]
    # embed_cl_system (note: original code indexes with sg_to_ps, faithfully replicated)
    cls = jnp.take(E_cls, ps_idx, axis=0)                           # [B, D_PS]
    # embed_space_group
    sg = jnp.take(E_sg, space_group, axis=0)                        # [B, D_SG]
    # concat order per docstring: symmetries, point symmetry, cl system, space group
    return jnp.concatenate([syms, ps, cls, sg], axis=-1)

if __name__ == "__main__":
    import jax
    _d = setup_inputs()
    print(jax.jit(kernel)(*tuple(_d.values())))

</pallas_src>

<mosaic_0001>
#map = affine_map<(d0, d1) -> (0, 0)>
#map1 = affine_map<(d0, d1) -> (0)>
module attributes {stable_mosaic.version = 14 : i64} {
  func.func @_sc_gather(%arg0: i32, %arg1: i32, %arg2: memref<231x128xf32, #tpu.memory_space<hbm>>, %arg3: memref<16384xi32, #tpu.memory_space<hbm>>, %arg4: memref<16384x128xf32, #tpu.memory_space<hbm>>, %arg5: memref<4x128xi32, #tpu.memory_space<vmem>>, %arg6: memref<512x128xf32, #tpu.memory_space<vmem>>, %arg7: memref<!tpu.dma_semaphore, #tpu.memory_space<semaphore_mem>>) attributes {dimension_semantics = [#tpu.dimension_semantics<core_parallel>, #tpu.dimension_semantics<subcore_parallel>], iteration_bounds = array<i64: 2, 16>, scalar_prefetch = 0 : i64, scratch_operands = 3 : i64, tpu.core_type = #tpu.core_type<sc_vector_subcore>, window_params = [{transform_indices = #map}, {transform_indices = #map1}, {transform_indices = #map}]} {
    %mul3A = arith.constant 2 : i32
    %mul3A_0 = arith.muli %arg1, %mul3A : i32
    %add3A = arith.addi %mul3A_0, %arg0 : i32
    %mul3A_1 = arith.constant 512 : i32
    %mul3A_2 = arith.muli %add3A, %mul3A_1 : i32
    %add3A_3 = arith.constant 0 : i32
    %add3A_4 = arith.addi %mul3A_2, %add3A_3 : i32
    %run_scoped3A = arith.constant 0 : i32
    "tpu.region"() ({
      %run_scoped3A_92 = tpu.sem_alloc : memref<!tpu.dma_semaphore, #tpu.memory_space<semaphore_mem>>
      %dma_start3A_93 = arith.constant 0 : i32
      %dma_start3A_94 = tpu.memref_slice %arg5[%run_scoped3A, %dma_start3A_93] : memref<4x128xi32, #tpu.memory_space<vmem>> -> memref<1x128xi32, #tpu.memory_space<vmem>>
      %dma_start3A_95 = tpu.memref_squeeze %dma_start3A_94 : memref<1x128xi32, #tpu.memory_space<vmem>> -> memref<128xi32, #tpu.memory_space<vmem>>
      %dma_start3A_96 = tpu.memref_slice %arg3[%add3A_4] : memref<16384xi32, #tpu.memory_space<hbm>> -> memref<128xi32, #tpu.memory_space<hbm>>
      %dma_start3A_97 = arith.constant 0 : i32
      %dma_start3A_98 = tpu.memref_slice %arg5[%run_scoped3A, %dma_start3A_97] : memref<4x128xi32, #tpu.memory_space<vmem>> -> memref<1x128xi32, #tpu.memory_space<vmem>>
      %dma_start3A_99 = tpu.memref_squeeze %dma_start3A_98 : memref<1x128xi32, #tpu.memory_space<vmem>> -> memref<128xi32, #tpu.memory_space<vmem>>
      %dma_start3A_100 = tpu.memref_slice %arg3[%add3A_4] : memref<16384xi32, #tpu.memory_space<hbm>> -> memref<128xi32, #tpu.memory_space<hbm>>
      tpu.enqueue_dma source(%dma_start3A_100 : memref<128xi32, #tpu.memory_space<hbm>>) target(%dma_start3A_99 : memref<128xi32, #tpu.memory_space<vmem>>) target_semaphore(%run_scoped3A_92 : memref<!tpu.dma_semaphore, #tpu.memory_space<semaphore_mem>>)
      %dma_wait3A_101 = arith.constant 0 : i32
      %dma_wait3A_102 = tpu.memref_slice %arg5[%run_scoped3A, %dma_wait3A_101] : memref<4x128xi32, #tpu.memory_space<vmem>> -> memref<1x128xi32, #tpu.memory_space<vmem>>
      %dma_wait3A_103 = tpu.memref_squeeze %dma_wait3A_102 : memref<1x128xi32, #tpu.memory_space<vmem>> -> memref<128xi32, #tpu.memory_space<vmem>>
      %dma_wait3A_104 = tpu.memref_slice %arg3[%add3A_4] : memref<16384xi32, #tpu.memory_space<hbm>> -> memref<128xi32, #tpu.memory_space<hbm>>
      %dma_wait3A_105 = arith.constant 0 : i32
      %dma_wait3A_106 = tpu.memref_slice %arg5[%run_scoped3A, %dma_wait3A_105] : memref<4x128xi32, #tpu.memory_space<vmem>> -> memref<1x128xi32, #tpu.memory_space<vmem>>
      %dma_wait3A_107 = tpu.memref_squeeze %dma_wait3A_106 : memref<1x128xi32, #tpu.memory_space<vmem>> -> memref<128xi32, #tpu.memory_space<vmem>>
      %dma_wait3A_108 = tpu.memref_slice %arg3[%add3A_4] : memref<16384xi32, #tpu.memory_space<hbm>> -> memref<128xi32, #tpu.memory_space<hbm>>
      tpu.wait_dma2 semaphore(%run_scoped3A_92 : memref<!tpu.dma_semaphore, #tpu.memory_space<semaphore_mem>>) src(%dma_wait3A_108 : memref<128xi32, #tpu.memory_space<hbm>>) dst(%dma_wait3A_107 : memref<128xi32, #tpu.memory_space<vmem>>)
      tpu.yield
    }) : () -> ()
    %add3A_5 = arith.constant 128 : i32
    %add3A_6 = arith.addi %mul3A_2, %add3A_5 : i32
    %run_scoped3A_7 = arith.constant 1 : i32
    "tpu.region"() ({
      %run_scoped3A_92 = tpu.sem_alloc : memref<!tpu.dma_semaphore, #tpu.memory_space<semaphore_mem>>
      %dma_start3A_93 = arith.constant 0 : i32
      %dma_start3A_94 = tpu.memref_slice %arg5[%run_scoped3A_7, %dma_start3A_93] : memref<4x128xi32, #tpu.memory_space<vmem>> -> memref<1x128xi32, #tpu.memory_space<vmem>>
      %dma_start3A_95 = tpu.memref_squeeze %dma_start3A_94 : memref<1x128xi32, #tpu.memory_space<vmem>> -> memref<128xi32, #tpu.memory_space<vmem>>
      %dma_start3A_96 = tpu.memref_slice %arg3[%add3A_6] : memref<16384xi32, #tpu.memory_space<hbm>> -> memref<128xi32, #tpu.memory_space<hbm>>
      %dma_start3A_97 = arith.constant 0 : i32
      %dma_start3A_98 = tpu.memref_slice %arg5[%run_scoped3A_7, %dma_start3A_97] : memref<4x128xi32, #tpu.memory_space<vmem>> -> memref<1x128xi32, #tpu.memory_space<vmem>>
      %dma_start3A_99 = tpu.memref_squeeze %dma_start3A_98 : memref<1x128xi32, #tpu.memory_space<vmem>> -> memref<128xi32, #tpu.memory_space<vmem>>
      %dma_start3A_100 = tpu.memref_slice %arg3[%add3A_6] : memref<16384xi32, #tpu.memory_space<hbm>> -> memref<128xi32, #tpu.memory_space<hbm>>
      tpu.enqueue_dma source(%dma_start3A_100 : memref<128xi32, #tpu.memory_space<hbm>>) target(%dma_start3A_99 : memref<128xi32, #tpu.memory_space<vmem>>) target_semaphore(%run_scoped3A_92 : memref<!tpu.dma_semaphore, #tpu.memory_space<semaphore_mem>>)
      %dma_wait3A_101 = arith.constant 0 : i32
      %dma_wait3A_102 = tpu.memref_slice %arg5[%run_scoped3A_7, %dma_wait3A_101] : memref<4x128xi32, #tpu.memory_space<vmem>> -> memref<1x128xi32, #tpu.memory_space<vmem>>
      %dma_wait3A_103 = tpu.memref_squeeze %dma_wait3A_102 : memref<1x128xi32, #tpu.memory_space<vmem>> -> memref<128xi32, #tpu.memory_space<vmem>>
      %dma_wait3A_104 = tpu.memref_slice %arg3[%add3A_6] : memref<16384xi32, #tpu.memory_space<hbm>> -> memref<128xi32, #tpu.memory_space<hbm>>
      %dma_wait3A_105 = arith.constant 0 : i32
      %dma_wait3A_106 = tpu.memref_slice %arg5[%run_scoped3A_7, %dma_wait3A_105] : memref<4x128xi32, #tpu.memory_space<vmem>> -> memref<1x128xi32, #tpu.memory_space<vmem>>
      %dma_wait3A_107 = tpu.memref_squeeze %dma_wait3A_106 : memref<1x128xi32, #tpu.memory_space<vmem>> -> memref<128xi32, #tpu.memory_space<vmem>>
      %dma_wait3A_108 = tpu.memref_slice %arg3[%add3A_6] : memref<16384xi32, #tpu.memory_space<hbm>> -> memref<128xi32, #tpu.memory_space<hbm>>
      tpu.wait_dma2 semaphore(%run_scoped3A_92 : memref<!tpu.dma_semaphore, #tpu.memory_space<semaphore_mem>>) src(%dma_wait3A_108 : memref<128xi32, #tpu.memory_space<hbm>>) dst(%dma_wait3A_107 : memref<128xi32, #tpu.memory_space<vmem>>)
      tpu.yield
    }) : () -> ()
    %add3A_8 = arith.constant 256 : i32
    %add3A_9 = arith.addi %mul3A_2, %add3A_8 : i32
    %run_scoped3A_10 = arith.constant 2 : i32
    "tpu.region"() ({
      %run_scoped3A_92 = tpu.sem_alloc : memref<!tpu.dma_semaphore, #tpu.memory_space<semaphore_mem>>
      %dma_start3A_93 = arith.constant 0 : i32
      %dma_start3A_94 = tpu.memref_slice %arg5[%run_scoped3A_10, %dma_start3A_93] : memref<4x128xi32, #tpu.memory_space<vmem>> -> memref<1x128xi32, #tpu.memory_space<vmem>>
      %dma_start3A_95 = tpu.memref_squeeze %dma_start3A_94 : memref<1x128xi32, #tpu.memory_space<vmem>> -> memref<128xi32, #tpu.memory_space<vmem>>
      %dma_start3A_96 = tpu.memref_slice %arg3[%add3A_9] : memref<16384xi32, #tpu.memory_space<hbm>> -> memref<128xi32, #tpu.memory_space<hbm>>
      %dma_start3A_97 = arith.constant 0 : i32
      %dma_start3A_98 = tpu.memref_slice %arg5[%run_scoped3A_10, %dma_start3A_97] : memref<4x128xi32, #tpu.memory_space<vmem>> -> memref<1x128xi32, #tpu.memory_space<vmem>>
      %dma_start3A_99 = tpu.memref_squeeze %dma_start3A_98 : memref<1x128xi32, #tpu.memory_space<vmem>> -> memref<128xi32, #tpu.memory_space<vmem>>
      %dma_start3A_100 = tpu.memref_slice %arg3[%add3A_9] : memref<16384xi32, #tpu.memory_space<hbm>> -> memref<128xi32, #tpu.memory_space<hbm>>
      tpu.enqueue_dma source(%dma_start3A_100 : memref<128xi32, #tpu.memory_space<hbm>>) target(%dma_start3A_99 : memref<128xi32, #tpu.memory_space<vmem>>) target_semaphore(%run_scoped3A_92 : memref<!tpu.dma_semaphore, #tpu.memory_space<semaphore_mem>>)
      %dma_wait3A_101 = arith.constant 0 : i32
      %dma_wait3A_102 = tpu.memref_slice %arg5[%run_scoped3A_10, %dma_wait3A_101] : memref<4x128xi32, #tpu.memory_space<vmem>> -> memref<1x128xi32, #tpu.memory_space<vmem>>
      %dma_wait3A_103 = tpu.memref_squeeze %dma_wait3A_102 : memref<1x128xi32, #tpu.memory_space<vmem>> -> memref<128xi32, #tpu.memory_space<vmem>>
      %dma_wait3A_104 = tpu.memref_slice %arg3[%add3A_9] : memref<16384xi32, #tpu.memory_space<hbm>> -> memref<128xi32, #tpu.memory_space<hbm>>
      %dma_wait3A_105 = arith.constant 0 : i32
      %dma_wait3A_106 = tpu.memref_slice %arg5[%run_scoped3A_10, %dma_wait3A_105] : memref<4x128xi32, #tpu.memory_space<vmem>> -> memref<1x128xi32, #tpu.memory_space<vmem>>
      %dma_wait3A_107 = tpu.memref_squeeze %dma_wait3A_106 : memref<1x128xi32, #tpu.memory_space<vmem>> -> memref<128xi32, #tpu.memory_space<vmem>>
      %dma_wait3A_108 = tpu.memref_slice %arg3[%add3A_9] : memref<16384xi32, #tpu.memory_space<hbm>> -> memref<128xi32, #tpu.memory_space<hbm>>
      tpu.wait_dma2 semaphore(%run_scoped3A_92 : memref<!tpu.dma_semaphore, #tpu.memory_space<semaphore_mem>>) src(%dma_wait3A_108 : memref<128xi32, #tpu.memory_space<hbm>>) dst(%dma_wait3A_107 : memref<128xi32, #tpu.memory_space<vmem>>)
      tpu.yield
    }) : () -> ()
    %add3A_11 = arith.constant 384 : i32
    %add3A_12 = arith.addi %mul3A_2, %add3A_11 : i32
    %run_scoped3A_13 = arith.constant 3 : i32
    "tpu.region"() ({
      %run_scoped3A_92 = tpu.sem_alloc : memref<!tpu.dma_semaphore, #tpu.memory_space<semaphore_mem>>
      %dma_start3A_93 = arith.constant 0 : i32
      %dma_start3A_94 = tpu.memref_slice %arg5[%run_scoped3A_13, %dma_start3A_93] : memref<4x128xi32, #tpu.memory_space<vmem>> -> memref<1x128xi32, #tpu.memory_space<vmem>>
      %dma_start3A_95 = tpu.memref_squeeze %dma_start3A_94 : memref<1x128xi32, #tpu.memory_space<vmem>> -> memref<128xi32, #tpu.memory_space<vmem>>
      %dma_start3A_96 = tpu.memref_slice %arg3[%add3A_12] : memref<16384xi32, #tpu.memory_space<hbm>> -> memref<128xi32, #tpu.memory_space<hbm>>
      %dma_start3A_97 = arith.constant 0 : i32
      %dma_start3A_98 = tpu.memref_slice %arg5[%run_scoped3A_13, %dma_start3A_97] : memref<4x128xi32, #tpu.memory_space<vmem>> -> memref<1x128xi32, #tpu.memory_space<vmem>>
      %dma_start3A_99 = tpu.memref_squeeze %dma_start3A_98 : memref<1x128xi32, #tpu.memory_space<vmem>> -> memref<128xi32, #tpu.memory_space<vmem>>
      %dma_start3A_100 = tpu.memref_slice %arg3[%add3A_12] : memref<16384xi32, #tpu.memory_space<hbm>> -> memref<128xi32, #tpu.memory_space<hbm>>
      tpu.enqueue_dma source(%dma_start3A_100 : memref<128xi32, #tpu.memory_space<hbm>>) target(%dma_start3A_99 : memref<128xi32, #tpu.memory_space<vmem>>) target_semaphore(%run_scoped3A_92 : memref<!tpu.dma_semaphore, #tpu.memory_space<semaphore_mem>>)
      %dma_wait3A_101 = arith.constant 0 : i32
      %dma_wait3A_102 = tpu.memref_slice %arg5[%run_scoped3A_13, %dma_wait3A_101] : memref<4x128xi32, #tpu.memory_space<vmem>> -> memref<1x128xi32, #tpu.memory_space<vmem>>
      %dma_wait3A_103 = tpu.memref_squeeze %dma_wait3A_102 : memref<1x128xi32, #tpu.memory_space<vmem>> -> memref<128xi32, #tpu.memory_space<vmem>>
      %dma_wait3A_104 = tpu.memref_slice %arg3[%add3A_12] : memref<16384xi32, #tpu.memory_space<hbm>> -> memref<128xi32, #tpu.memory_space<hbm>>
      %dma_wait3A_105 = arith.constant 0 : i32
      %dma_wait3A_106 = tpu.memref_slice %arg5[%run_scoped3A_13, %dma_wait3A_105] : memref<4x128xi32, #tpu.memory_space<vmem>> -> memref<1x128xi32, #tpu.memory_space<vmem>>
      %dma_wait3A_107 = tpu.memref_squeeze %dma_wait3A_106 : memref<1x128xi32, #tpu.memory_space<vmem>> -> memref<128xi32, #tpu.memory_space<vmem>>
      %dma_wait3A_108 = tpu.memref_slice %arg3[%add3A_12] : memref<16384xi32, #tpu.memory_space<hbm>> -> memref<128xi32, #tpu.memory_space<hbm>>
      tpu.wait_dma2 semaphore(%run_scoped3A_92 : memref<!tpu.dma_semaphore, #tpu.memory_space<semaphore_mem>>) src(%dma_wait3A_108 : memref<128xi32, #tpu.memory_space<hbm>>) dst(%dma_wait3A_107 : memref<128xi32, #tpu.memory_space<vmem>>)
      tpu.yield
    }) : () -> ()
    %dma_start3A = arith.constant 0 : i32
    %dma_start3A_14 = arith.constant 0 : i32
    %dma_start3A_15 = arith.constant 0 : i32
    %dma_start3A_16 = tpu.memref_slice %arg6[%dma_start3A_14, %dma_start3A_15] : memref<512x128xf32, #tpu.memory_space<vmem>> -> memref<128x128xf32, #tpu.memory_space<vmem>>
    %dma_start3A_17 = arith.constant 0 : i32
    %dma_start3A_18 = tpu.memref_slice %arg5[%dma_start3A, %dma_start3A_17] : memref<4x128xi32, #tpu.memory_space<vmem>> -> memref<1x128xi32, #tpu.memory_space<vmem>>
    %dma_start3A_19 = tpu.memref_squeeze %dma_start3A_18 : memref<1x128xi32, #tpu.memory_space<vmem>> -> memref<128xi32, #tpu.memory_space<vmem>>
    %dma_start3A_20 = arith.constant 0 : i32
    %dma_start3A_21 = arith.constant 0 : i32
    %dma_start3A_22 = tpu.memref_slice %arg2[%dma_start3A_20, %dma_start3A_21] : memref<231x128xf32, #tpu.memory_space<hbm>> -> memref<231x128xf32, #tpu.memory_space<hbm>>
    tpu.enqueue_indirect_dma source(%dma_start3A_22 : memref<231x128xf32, #tpu.memory_space<hbm>>) target(%dma_start3A_16 : memref<128x128xf32, #tpu.memory_space<vmem>>) offsets(%dma_start3A_19 : memref<128xi32, #tpu.memory_space<vmem>>) semaphore(%arg7 : memref<!tpu.dma_semaphore, #tpu.memory_space<semaphore_mem>>)
    %dma_start3A_23 = arith.constant 1 : i32
    %dma_start3A_24 = arith.constant 128 : i32
    %dma_start3A_25 = arith.constant 0 : i32
    %dma_start3A_26 = tpu.memref_slice %arg6[%dma_start3A_24, %dma_start3A_25] : memref<512x128xf32, #tpu.memory_space<vmem>> -> memref<128x128xf32, #tpu.memory_space<vmem>>
    %dma_start3A_27 = arith.constant 0 : i32
    %dma_start3A_28 = tpu.memref_slice %arg5[%dma_start3A_23, %dma_start3A_27] : memref<4x128xi32, #tpu.memory_space<vmem>> -> memref<1x128xi32, #tpu.memory_space<vmem>>
    %dma_start3A_29 = tpu.memref_squeeze %dma_start3A_28 : memref<1x128xi32, #tpu.memory_space<vmem>> -> memref<128xi32, #tpu.memory_space<vmem>>
    %dma_start3A_30 = arith.constant 0 : i32
    %dma_start3A_31 = arith.constant 0 : i32
    %dma_start3A_32 = tpu.memref_slice %arg2[%dma_start3A_30, %dma_start3A_31] : memref<231x128xf32, #tpu.memory_space<hbm>> -> memref<231x128xf32, #tpu.memory_space<hbm>>
    tpu.enqueue_indirect_dma source(%dma_start3A_32 : memref<231x128xf32, #tpu.memory_space<hbm>>) target(%dma_start3A_26 : memref<128x128xf32, #tpu.memory_space<vmem>>) offsets(%dma_start3A_29 : memref<128xi32, #tpu.memory_space<vmem>>) semaphore(%arg7 : memref<!tpu.dma_semaphore, #tpu.memory_space<semaphore_mem>>)
    %dma_start3A_33 = arith.constant 2 : i32
    %dma_start3A_34 = arith.constant 256 : i32
    %dma_start3A_35 = arith.constant 0 : i32
    %dma_start3A_36 = tpu.memref_slice %arg6[%dma_start3A_34, %dma_start3A_35] : memref<512x128xf32, #tpu.memory_space<vmem>> -> memref<128x128xf32, #tpu.memory_space<vmem>>
    %dma_start3A_37 = arith.constant 0 : i32
    %dma_start3A_38 = tpu.memref_slice %arg5[%dma_start3A_33, %dma_start3A_37] : memref<4x128xi32, #tpu.memory_space<vmem>> -> memref<1x128xi32, #tpu.memory_space<vmem>>
    %dma_start3A_39 = tpu.memref_squeeze %dma_start3A_38 : memref<1x128xi32, #tpu.memory_space<vmem>> -> memref<128xi32, #tpu.memory_space<vmem>>
    %dma_start3A_40 = arith.constant 0 : i32
    %dma_start3A_41 = arith.constant 0 : i32
    %dma_start3A_42 = tpu.memref_slice %arg2[%dma_start3A_40, %dma_start3A_41] : memref<231x128xf32, #tpu.memory_space<hbm>> -> memref<231x128xf32, #tpu.memory_space<hbm>>
    tpu.enqueue_indirect_dma source(%dma_start3A_42 : memref<231x128xf32, #tpu.memory_space<hbm>>) target(%dma_start3A_36 : memref<128x128xf32, #tpu.memory_space<vmem>>) offsets(%dma_start3A_39 : memref<128xi32, #tpu.memory_space<vmem>>) semaphore(%arg7 : memref<!tpu.dma_semaphore, #tpu.memory_space<semaphore_mem>>)
    %dma_start3A_43 = arith.constant 3 : i32
    %dma_start3A_44 = arith.constant 384 : i32
    %dma_start3A_45 = arith.constant 0 : i32
    %dma_start3A_46 = tpu.memref_slice %arg6[%dma_start3A_44, %dma_start3A_45] : memref<512x128xf32, #tpu.memory_space<vmem>> -> memref<128x128xf32, #tpu.memory_space<vmem>>
    %dma_start3A_47 = arith.constant 0 : i32
    %dma_start3A_48 = tpu.memref_slice %arg5[%dma_start3A_43, %dma_start3A_47] : memref<4x128xi32, #tpu.memory_space<vmem>> -> memref<1x128xi32, #tpu.memory_space<vmem>>
    %dma_start3A_49 = tpu.memref_squeeze %dma_start3A_48 : memref<1x128xi32, #tpu.memory_space<vmem>> -> memref<128xi32, #tpu.memory_space<vmem>>
    %dma_start3A_50 = arith.constant 0 : i32
    %dma_start3A_51 = arith.constant 0 : i32
    %dma_start3A_52 = tpu.memref_slice %arg2[%dma_start3A_50, %dma_start3A_51] : memref<231x128xf32, #tpu.memory_space<hbm>> -> memref<231x128xf32, #tpu.memory_space<hbm>>
    tpu.enqueue_indirect_dma source(%dma_start3A_52 : memref<231x128xf32, #tpu.memory_space<hbm>>) target(%dma_start3A_46 : memref<128x128xf32, #tpu.memory_space<vmem>>) offsets(%dma_start3A_49 : memref<128xi32, #tpu.memory_space<vmem>>) semaphore(%arg7 : memref<!tpu.dma_semaphore, #tpu.memory_space<semaphore_mem>>)
    %dma_wait3A = arith.constant 0 : i32
    %dma_wait3A_53 = arith.constant 0 : i32
    %dma_wait3A_54 = arith.constant 0 : i32
    %dma_wait3A_55 = tpu.memref_slice %arg6[%dma_wait3A_53, %dma_wait3A_54] : memref<512x128xf32, #tpu.memory_space<vmem>> -> memref<128x128xf32, #tpu.memory_space<vmem>>
    %dma_wait3A_56 = arith.constant 0 : i32
    %dma_wait3A_57 = tpu.memref_slice %arg5[%dma_wait3A, %dma_wait3A_56] : memref<4x128xi32, #tpu.memory_space<vmem>> -> memref<1x128xi32, #tpu.memory_space<vmem>>
    %dma_wait3A_58 = tpu.memref_squeeze %dma_wait3A_57 : memref<1x128xi32, #tpu.memory_space<vmem>> -> memref<128xi32, #tpu.memory_space<vmem>>
    %dma_wait3A_59 = arith.constant 0 : i32
    %dma_wait3A_60 = arith.constant 0 : i32
    %dma_wait3A_61 = tpu.memref_slice %arg2[%dma_wait3A_59, %dma_wait3A_60] : memref<231x128xf32, #tpu.memory_space<hbm>> -> memref<231x128xf32, #tpu.memory_space<hbm>>
    tpu.wait_indirect_dma semaphore(%arg7 : memref<!tpu.dma_semaphore, #tpu.memory_space<semaphore_mem>>) src(%dma_wait3A_61 : memref<231x128xf32, #tpu.memory_space<hbm>>) dst(%dma_wait3A_55 : memref<128x128xf32, #tpu.memory_space<vmem>>)
    %dma_wait3A_62 = arith.constant 1 : i32
    %dma_wait3A_63 = arith.constant 128 : i32
    %dma_wait3A_64 = arith.constant 0 : i32
    %dma_wait3A_65 = tpu.memref_slice %arg6[%dma_wait3A_63, %dma_wait3A_64] : memref<512x128xf32, #tpu.memory_space<vmem>> -> memref<128x128xf32, #tpu.memory_space<vmem>>
    %dma_wait3A_66 = arith.constant 0 : i32
    %dma_wait3A_67 = tpu.memref_slice %arg5[%dma_wait3A_62, %dma_wait3A_66] : memref<4x128xi32, #tpu.memory_space<vmem>> -> memref<1x128xi32, #tpu.memory_space<vmem>>
    %dma_wait3A_68 = tpu.memref_squeeze %dma_wait3A_67 : memref<1x128xi32, #tpu.memory_space<vmem>> -> memref<128xi32, #tpu.memory_space<vmem>>
    %dma_wait3A_69 = arith.constant 0 : i32
    %dma_wait3A_70 = arith.constant 0 : i32
    %dma_wait3A_71 = tpu.memref_slice %arg2[%dma_wait3A_69, %dma_wait3A_70] : memref<231x128xf32, #tpu.memory_space<hbm>> -> memref<231x128xf32, #tpu.memory_space<hbm>>
    tpu.wait_indirect_dma semaphore(%arg7 : memref<!tpu.dma_semaphore, #tpu.memory_space<semaphore_mem>>) src(%dma_wait3A_71 : memref<231x128xf32, #tpu.memory_space<hbm>>) dst(%dma_wait3A_65 : memref<128x128xf32, #tpu.memory_space<vmem>>)
    %dma_wait3A_72 = arith.constant 2 : i32
    %dma_wait3A_73 = arith.constant 256 : i32
    %dma_wait3A_74 = arith.constant 0 : i32
    %dma_wait3A_75 = tpu.memref_slice %arg6[%dma_wait3A_73, %dma_wait3A_74] : memref<512x128xf32, #tpu.memory_space<vmem>> -> memref<128x128xf32, #tpu.memory_space<vmem>>
    %dma_wait3A_76 = arith.constant 0 : i32
    %dma_wait3A_77 = tpu.memref_slice %arg5[%dma_wait3A_72, %dma_wait3A_76] : memref<4x128xi32, #tpu.memory_space<vmem>> -> memref<1x128xi32, #tpu.memory_space<vmem>>
    %dma_wait3A_78 = tpu.memref_squeeze %dma_wait3A_77 : memref<1x128xi32, #tpu.memory_space<vmem>> -> memref<128xi32, #tpu.memory_space<vmem>>
    %dma_wait3A_79 = arith.constant 0 : i32
    %dma_wait3A_80 = arith.constant 0 : i32
    %dma_wait3A_81 = tpu.memref_slice %arg2[%dma_wait3A_79, %dma_wait3A_80] : memref<231x128xf32, #tpu.memory_space<hbm>> -> memref<231x128xf32, #tpu.memory_space<hbm>>
    tpu.wait_indirect_dma semaphore(%arg7 : memref<!tpu.dma_semaphore, #tpu.memory_space<semaphore_mem>>) src(%dma_wait3A_81 : memref<231x128xf32, #tpu.memory_space<hbm>>) dst(%dma_wait3A_75 : memref<128x128xf32, #tpu.memory_space<vmem>>)
    %dma_wait3A_82 = arith.constant 3 : i32
    %dma_wait3A_83 = arith.constant 384 : i32
    %dma_wait3A_84 = arith.constant 0 : i32
    %dma_wait3A_85 = tpu.memref_slice %arg6[%dma_wait3A_83, %dma_wait3A_84] : memref<512x128xf32, #tpu.memory_space<vmem>> -> memref<128x128xf32, #tpu.memory_space<vmem>>
    %dma_wait3A_86 = arith.constant 0 : i32
    %dma_wait3A_87 = tpu.memref_slice %arg5[%dma_wait3A_82, %dma_wait3A_86] : memref<4x128xi32, #tpu.memory_space<vmem>> -> memref<1x128xi32, #tpu.memory_space<vmem>>
    %dma_wait3A_88 = tpu.memref_squeeze %dma_wait3A_87 : memref<1x128xi32, #tpu.memory_space<vmem>> -> memref<128xi32, #tpu.memory_space<vmem>>
    %dma_wait3A_89 = arith.constant 0 : i32
    %dma_wait3A_90 = arith.constant 0 : i32
    %dma_wait3A_91 = tpu.memref_slice %arg2[%dma_wait3A_89, %dma_wait3A_90] : memref<231x128xf32, #tpu.memory_space<hbm>> -> memref<231x128xf32, #tpu.memory_space<hbm>>
    tpu.wait_indirect_dma semaphore(%arg7 : memref<!tpu.dma_semaphore, #tpu.memory_space<semaphore_mem>>) src(%dma_wait3A_91 : memref<231x128xf32, #tpu.memory_space<hbm>>) dst(%dma_wait3A_85 : memref<128x128xf32, #tpu.memory_space<vmem>>)
    "tpu.region"() ({
      %run_scoped3A_92 = tpu.sem_alloc : memref<!tpu.dma_semaphore, #tpu.memory_space<semaphore_mem>>
      %dma_start3A_93 = arith.constant 0 : i32
      %dma_start3A_94 = tpu.memref_slice %arg4[%mul3A_2, %dma_start3A_93] : memref<16384x128xf32, #tpu.memory_space<hbm>> -> memref<512x128xf32, #tpu.memory_space<hbm>>
      %dma_start3A_95 = arith.constant 0 : i32
      %dma_start3A_96 = tpu.memref_slice %arg4[%mul3A_2, %dma_start3A_95] : memref<16384x128xf32, #tpu.memory_space<hbm>> -> memref<512x128xf32, #tpu.memory_space<hbm>>
      tpu.enqueue_dma source(%arg6 : memref<512x128xf32, #tpu.memory_space<vmem>>) target(%dma_start3A_96 : memref<512x128xf32, #tpu.memory_space<hbm>>) target_semaphore(%run_scoped3A_92 : memref<!tpu.dma_semaphore, #tpu.memory_space<semaphore_mem>>)
      %dma_wait3A_97 = arith.constant 0 : i32
      %dma_wait3A_98 = tpu.memref_slice %arg4[%mul3A_2, %dma_wait3A_97] : memref<16384x128xf32, #tpu.memory_space<hbm>> -> memref<512x128xf32, #tpu.memory_space<hbm>>
      %dma_wait3A_99 = arith.constant 0 : i32
      %dma_wait3A_100 = tpu.memref_slice %arg4[%mul3A_2, %dma_wait3A_99] : memref<16384x128xf32, #tpu.memory_space<hbm>> -> memref<512x128xf32, #tpu.memory_space<hbm>>
      tpu.wait_dma2 semaphore(%run_scoped3A_92 : memref<!tpu.dma_semaphore, #tpu.memory_space<semaphore_mem>>) src(%arg6 : memref<512x128xf32, #tpu.memory_space<vmem>>) dst(%dma_wait3A_100 : memref<512x128xf32, #tpu.memory_space<hbm>>)
      tpu.yield
    }) : () -> ()
    return
  }
}

module attributes {stable_mosaic.version = 14 : i64} {
  func.func @_table_body(%arg0: memref<231x1344xf32, #tpu.memory_space<vmem>>, %arg1: memref<231xi32, #tpu.memory_space<vmem>>, %arg2: memref<7x16xf32, #tpu.memory_space<vmem>>, %arg3: memref<16xf32, #tpu.memory_space<vmem>>, %arg4: memref<231x16xf32, #tpu.memory_space<vmem>>, %arg5: memref<7x16xf32, #tpu.memory_space<vmem>>, %arg6: memref<9x16xf32, #tpu.memory_space<vmem>>, %arg7: memref<231x128xf32, #tpu.memory_space<vmem>>) attributes {dimension_semantics = [], scalar_prefetch = 0 : i64, scratch_operands = 0 : i64, tpu.core_type = #tpu.core_type<tc>} {
    %get3A = arith.constant 0 : index
    %get3A_0 = arith.constant 0 : index
    %get3A_1 = vector.load %arg0[%get3A, %get3A_0] : memref<231x1344xf32, #tpu.memory_space<vmem>>, vector<231x1344xf32>
    %eq3A = arith.cmpf oeq, %get3A_1, %get3A_1 : vector<231x1344xf32>
    %jit3A = arith.constant 0.000000e+00 : f32
    %broadcast_in_dim3A = vector.broadcast %jit3A : f32 to vector<231x1344xf32>
    %select_n3A = arith.select %eq3A, %get3A_1, %broadcast_in_dim3A : vector<231x1344xi1>, vector<231x1344xf32>
    %iota3A = tpu.iota {dimensions = array<i32: 0>} : vector<1344x7xi32>
    %jit3A_2 = arith.constant 7 : i32
    %eq3A_3 = arith.constant 0 : i32
    %eq3A_4 = arith.cmpi eq, %jit3A_2, %eq3A_3 : i32
    %jit3A_5 = arith.constant 1 : i32
    %select_n3A_6 = arith.select %eq3A_4, %jit3A_5, %jit3A_2 : i32
    %rem3A = vector.broadcast %select_n3A_6 : i32 to vector<1344x7xi32>
    %rem3A_7 = arith.remsi %iota3A, %rem3A : vector<1344x7xi32>
    %ne3A = arith.constant 0 : i32
    %ne3A_8 = vector.broadcast %ne3A : i32 to vector<1344x7xi32>
    %ne3A_9 = arith.cmpi ne, %rem3A_7, %ne3A_8 : vector<1344x7xi32>
    %lt3A = arith.constant 0 : i32
    %lt3A_10 = vector.broadcast %lt3A : i32 to vector<1344x7xi32>
    %lt3A_11 = arith.cmpi slt, %rem3A_7, %lt3A_10 : vector<1344x7xi32>
    %lt3A_12 = arith.constant 0 : i32
    %lt3A_13 = arith.cmpi slt, %select_n3A_6, %lt3A_12 : i32
    %ne3A_14 = vector.broadcast %lt3A_13 : i1 to vector<1344x7xi1>
    %ne3A_15 = vector.broadcast %ne3A_14 : vector<1344x7xi1> to vector<1344x7xi1>
    %ne3A_16 = arith.xori %lt3A_11, %ne3A_15 : vector<1344x7xi1>
    %and3A = arith.andi %ne3A_16, %ne3A_9 : vector<1344x7xi1>
    %add3A = vector.broadcast %select_n3A_6 : i32 to vector<1344x7xi32>
    %add3A_17 = arith.addi %rem3A_7, %add3A : vector<1344x7xi32>
    %select_n3A_18 = arith.select %and3A, %add3A_17, %rem3A_7 : vector<1344x7xi1>, vector<1344x7xi32>
    %iota3A_19 = tpu.iota {dimensions = array<i32: 1>} : vector<1344x7xi32>
    %eq3A_20 = arith.cmpi eq, %select_n3A_18, %iota3A_19 : vector<1344x7xi32>
    %convert_element_type3A = arith.extui %eq3A_20 : vector<1344x7xi1> to vector<1344x7xi32>
    %convert_element_type3A_21 = arith.sitofp %convert_element_type3A : vector<1344x7xi32> to vector<1344x7xf32>
    %dot_general3A = arith.constant dense<0.000000e+00> : vector<231x7xf32>
    %dot_general3A_22 = tpu.matmul %select_n3A, %convert_element_type3A_21, %dot_general3A {dimension_numbers = #tpu.dot_dimension_numbers<[1], [0], [0], [1], [0, 0, 1, 1], [], []>, transpose_lhs_hint = false} : vector<231x1344xf32>, vector<1344x7xf32>, vector<231x7xf32> -> vector<231x7xf32>
    %get3A_23 = arith.constant 0 : index
    %get3A_24 = arith.constant 0 : index
    %get3A_25 = vector.load %arg2[%get3A_23, %get3A_24] : memref<7x16xf32, #tpu.memory_space<vmem>>, vector<7x16xf32>
    %dot_general3A_26 = arith.constant dense<0.000000e+00> : vector<231x16xf32>
    %dot_general3A_27 = tpu.matmul %dot_general3A_22, %get3A_25, %dot_general3A_26 {dimension_numbers = #tpu.dot_dimension_numbers<[1], [0], [0], [1], [0, 0, 1, 1], [], []>, transpose_lhs_hint = false} : vector<231x7xf32>, vector<7x16xf32>, vector<231x16xf32> -> vector<231x16xf32>
    %convert_element_type3A_28 = arith.extui %eq3A : vector<231x1344xi1> to vector<231x1344xi32>
    %convert_element_type3A_29 = arith.sitofp %convert_element_type3A_28 : vector<231x1344xi32> to vector<231x1344xf32>
    %reduce_sum3A = arith.constant dense<0.000000e+00> : vector<231xf32>
    %reduce_sum3A_30 = vector.multi_reduction <add>, %convert_element_type3A_29, %reduce_sum3A [1] : vector<231x1344xf32> to vector<231xf32>
    %broadcast_in_dim3A_31 = vector.shape_cast %reduce_sum3A_30 : vector<231xf32> to vector<231x1xf32>
    %div3A = arith.constant 7.000000e+00 : f32
    %div3A_32 = vector.broadcast %div3A : f32 to vector<231x1xf32>
    %div3A_33 = arith.divf %broadcast_in_dim3A_31, %div3A_32 : vector<231x1xf32>
    %get3A_34 = arith.constant 0 : index
    %get3A_35 = vector.load %arg3[%get3A_34] : memref<16xf32, #tpu.memory_space<vmem>>, vector<16xf32>
    %reshape3A = vector.shape_cast %get3A_35 : vector<16xf32> to vector<1x16xf32>
    %mul3A = vector.broadcast %div3A_33 : vector<231x1xf32> to vector<231x16xf32>
    %mul3A_36 = vector.broadcast %reshape3A : vector<1x16xf32> to vector<231x16xf32>
    %mul3A_37 = arith.mulf %mul3A, %mul3A_36 : vector<231x16xf32>
    %add3A_38 = arith.addf %dot_general3A_27, %mul3A_37 : vector<231x16xf32>
    %get3A_39 = arith.constant 0 : index
    %get3A_40 = vector.load %arg1[%get3A_39] : memref<231xi32, #tpu.memory_space<vmem>>, vector<231xi32>
    %broadcast_in_dim3A_41 = vector.shape_cast %get3A_40 : vector<231xi32> to vector<1x231xi32>
    %broadcast_in_dim3A_42 = vector.broadcast %broadcast_in_dim3A_41 : vector<1x231xi32> to vector<7x231xi32>
    %iota3A_43 = tpu.iota {dimensions = array<i32: 0>} : vector<7x231xi32>
    %eq3A_44 = arith.cmpi eq, %broadcast_in_dim3A_42, %iota3A_43 : vector<7x231xi32>
    %convert_element_type3A_45 = arith.extui %eq3A_44 : vector<7x231xi1> to vector<7x231xi32>
    %convert_element_type3A_46 = arith.sitofp %convert_element_type3A_45 : vector<7x231xi32> to vector<7x231xf32>
    %get3A_47 = arith.constant 0 : index
    %get3A_48 = arith.constant 0 : index
    %get3A_49 = vector.load %arg5[%get3A_47, %get3A_48] : memref<7x16xf32, #tpu.memory_space<vmem>>, vector<7x16xf32>
    %dot_general3A_50 = arith.constant dense<0.000000e+00> : vector<231x16xf32>
    %dot_general3A_51 = tpu.matmul %convert_element_type3A_46, %get3A_49, %dot_general3A_50 {dimension_numbers = #tpu.dot_dimension_numbers<[0], [0], [1], [1], [0, 1, 1, 1], [], []>, transpose_lhs_hint = false} : vector<7x231xf32>, vector<7x16xf32>, vector<231x16xf32> -> vector<231x16xf32>
    %get3A_52 = arith.constant 0 : index
    %get3A_53 = arith.constant 0 : index
    %get3A_54 = vector.load %arg6[%get3A_52, %get3A_53] : memref<9x16xf32, #tpu.memory_space<vmem>>, vector<7x16xf32>
    %dot_general3A_55 = arith.constant dense<0.000000e+00> : vector<231x16xf32>
    %dot_general3A_56 = tpu.matmul %convert_element_type3A_46, %get3A_54, %dot_general3A_55 {dimension_numbers = #tpu.dot_dimension_numbers<[0], [0], [1], [1], [0, 1, 1, 1], [], []>, transpose_lhs_hint = false} : vector<7x231xf32>, vector<7x16xf32>, vector<231x16xf32> -> vector<231x16xf32>
    %broadcast_in_dim3A_57 = arith.constant 0.000000e+00 : f32
    %broadcast_in_dim3A_58 = vector.broadcast %broadcast_in_dim3A_57 : f32 to vector<231x64xf32>
    %get3A_59 = arith.constant 0 : index
    %get3A_60 = arith.constant 0 : index
    %get3A_61 = vector.load %arg4[%get3A_59, %get3A_60] : memref<231x16xf32, #tpu.memory_space<vmem>>, vector<231x16xf32>
    %concatenate3A = tpu.concatenate %add3A_38, %dot_general3A_51, %dot_general3A_56, %get3A_61, %broadcast_in_dim3A_58 in 1 : vector<231x16xf32>, vector<231x16xf32>, vector<231x16xf32>, vector<231x16xf32>, vector<231x64xf32> -> vector<231x128xf32>
    %swap3A = arith.constant 0 : index
    %swap3A_62 = arith.constant 0 : index
    %swap3A_63 = vector.load %arg7[%swap3A, %swap3A_62] : memref<231x128xf32, #tpu.memory_space<vmem>>, vector<231x128xf32>
    tpu.vector_store %arg7[%swap3A, %swap3A_62], %concatenate3A {strides = array<i32>} : memref<231x128xf32, #tpu.memory_space<vmem>>, vector<231x128xf32>,
    return
  }
}

</mosaic_0001>

<sc_bundles>
// kernel: kernel.4.cloned.1.call-start
scs
__scs_entry_jumppad:
0x0: {  	(pc) =	sbr.rel $0x88, $3  }
0x1: {  	(tag) =	ssettag $0x0;
	lr =	simm.s32 $0x1  }
0x2: {  	[smem:$0x3F99] =	sst lr;
	_ =	strace $0xD0000000  }
0x3: {  	_ = 	snop  }
0x4: {  	_ = 	snop  }
0x5: {  	_ = 	snop  }
0x6: {  	_ = 	snop  }
0x7: {  	_ = 	snop  }
__scs_overlays_trampoline_lowered:
0x8: {  	[smem:$0x3FA8] =	sst s0  }
0x9: {  	[smem:$0x3FA9] =	sst s1  }
0xa: {  	[smem:$0x3FAA] =	sst s2  }
0xb: {  	[smem:$0x3FAB] =	sst s3  }
0xc: {  	[smem:$0x3FAC] =	sst s4  }
0xd: {  	[smem:$0x3FAD] =	sst s5  }
0xe: {  	[smem:$0x3FAE] =	sst s6  }
0xf: {  	[smem:$0x3FAF] =	sst s7  }
0x10: {  	[smem:$0x3FB0] =	sst s8  }
0x11: {  	[smem:$0x3FB1] =	sst s9;
	s0 =	simm.s32 @!p0 $0x0  }
0x12: {  	s1 =	sld [smem:$0x3F97];
	s0 =	simm.s32 @p0 $0x1  }
0x13: {  	[smem:$0x3FB2] =	sst s0;
	s0 =	simm.s32 @!p1 $0x0  }
0x14: {  	s2 =	sld [smem:$0x3F96];
	s0 =	simm.s32 @p1 $0x1  }
0x15: {  	[smem:$0x3FB3] =	sst s0;
	s0 =	simm.s32 @!p2 $0x0  }
0x16: {  	s3 =	sld [smem:$0x3FDB];
	s0 =	simm.s32 @p2 $0x1  }
0x17: {  	s4 =	simm.s32 $0x1BF5;
	[smem:$0x3FB5] =	sst s0  }
0x18: {  	s0 =	sld [smem:$0x3F98];
	_ =	swait.ge [sflag:s4], $0x0  }
0x19: {  	s7 =	sld [smem:$0x3F99]  }
0x1a: {  	s8 =	sadd.s32 $0xFFFFE003, lr  }
0x1b: {  	s9 =	sadd.s32 $0xFFFFFEF7, lr;
	s5 =	simm.s32 $0xFFFFFFFF;
	p2 =	slt.u32 s8, $0xFFFFF086  }
0x1c: {  	p1 =	slt.u32 s9, $0xF7A;
	s5 =	simm.s32 @!p2 $0x0  }
0x1d: {  	s5 =	simm.s32 @p1 $0x1;
	p0 =	seq.s32 s7, s2  }
0x1e: {  	s7 =	smul.u32 @!p0 $0xF7A, s2;
	p2 =	seq.s32 @!p0 s5, $0x0  }
0x1f: {  	s9 =	smul.u32 $0xF7A, s1;
	s8 =	simm.s32 @!p0 $0x1BF5;
	p2 =	por !p2, p0  }
0x20: {  	[sflag:s8] =	ssyncset.s32 @!p0 $0xFFFFF086;
	s6 =	sadd.s32 @!p0 s3, s7;
	s7 =	simm.s32 @!p0 $0x108  }
0x21: {  	s3 =	sadd.s32 s3, s9;
	s6 =	sadd.s32 @!p0 $0x88, s6;
	s7 =	simm.s32 @p2 $0x1082  }
0x22: {  	[simem:s7], [sflag:s8] =	dma.local @!p0 [hbm:s6], $0xF7A  }
0x23: {  	s9 =	sor.u32 $0xD0000000, s2;
	s6 =	simm.s32 $0x108;
	_ =	swait.ge @!p0 [sflag:s8], $0x0  }
0x24: {  	s3 =	sadd.s32 $0x88, s3;
	s6 =	simm.s32 @!p1 $0x1082;
	[sflag:s4] =	ssyncset.s32 $0xFFFFF086  }
0x25: {  	[simem:s6], [sflag:s4] =	dma.local [hbm:s3], $0xF7A  }
0x26: {  	[smem:$0x3F99] =	sst s1;
	(tag) =	ssettag s2;
	_ =	strace s9  }
0x27: {  	s1 =	sld [smem:$0x3FA9]  }
0x28: {  	s2 =	sld [smem:$0x3FAA]  }
0x29: {  	s4 =	sld [smem:$0x3FAC]  }
0x2a: {  	p0 =	seq.s32 s5, $0x0;
	s5 =	sld [smem:$0x3FAD]  }
0x2b: {  	s6 =	sld [smem:$0x3FAE]  }
0x2c: {  	s7 =	sld [smem:$0x3FAF]  }
0x2d: {  	s3 =	simm.s32 $0x108;
	s8 =	sld [smem:$0x3FB0]  }
0x2e: {  	s3 =	simm.s32 @!p0 $0x1082;
	s9 =	sld [smem:$0x3FB1]  }
0x2f: {  	lr =	sadd.s32 s0, s3;
	s0 =	sld [smem:$0x3FA8]  }
0x30: {  	s3 =	sld [smem:$0x3FAB]  }
0x31: {  	[smem:$0x3FB4] =	sst s10  }
0x32: {  	s10 =	sld [smem:$0x3FB2];
	_ =	sdelay $0x3  }
0x33: {  	p0 =	seq.s32 s10, $0x1;
	s10 =	sld [smem:$0x3FB4];
	_ =	sdelay $0x3  }
0x34: {  	[smem:$0x3FB4] =	sst s10  }
0x35: {  	s10 =	sld [smem:$0x3FB3];
	_ =	sdelay $0x3  }
0x36: {  	p1 =	seq.s32 s10, $0x1;
	s10 =	sld [smem:$0x3FB4];
	_ =	sdelay $0x3  }
0x37: {  	[smem:$0x3FB4] =	sst s10  }
0x38: {  	s10 =	sld [smem:$0x3FB5]  }
0x39: {  	_ = 	snop;
	(pc) =	sbr.ind lr, $3  }
0x3a: {  	_ = 	snop  }
0x3b: {  	_ = 	snop  }
0x3c: {  	p2 =	seq.s32 s10, $0x1;
	s10 =	sld [smem:$0x3FB4]  }
0x3d: {  	_ =	shalt  }
0x3e: {  	_ =	shalt  }
0x3f: {  	_ =	shalt  }
0x40: {  	_ =	shalt  }
0x41: {  	_ =	shalt  }
0x42: {  	_ =	shalt  }
0x43: {  	_ =	shalt  }
0x44: {  	_ =	shalt  }
0x45: {  	_ =	shalt  }
0x46: {  	_ =	shalt  }
0x47: {  	_ =	shalt  }
0x48: {  	_ =	shalt  }
0x49: {  	_ =	shalt  }
0x4a: {  	_ =	shalt  }
0x4b: {  	_ =	shalt  }
0x4c: {  	_ =	shalt  }
0x4d: {  	_ =	shalt  }
0x4e: {  	_ =	shalt  }
0x4f: {  	_ =	shalt  }
0x50: {  	_ =	shalt  }
0x51: {  	_ =	shalt  }
0x52: {  	_ =	shalt  }
0x53: {  	_ =	shalt  }
0x54: {  	_ =	shalt  }
0x55: {  	_ =	shalt  }
0x56: {  	_ =	shalt  }
0x57: {  	_ =	shalt  }
0x58: {  	_ =	shalt  }
0x59: {  	_ =	shalt  }
0x5a: {  	_ =	shalt  }
0x5b: {  	_ =	shalt  }
0x5c: {  	_ =	shalt  }
0x5d: {  	_ =	shalt  }
0x5e: {  	_ =	shalt  }
0x5f: {  	_ =	shalt  }
0x60: {  	_ =	shalt  }
0x61: {  	_ =	shalt  }
0x62: {  	_ =	shalt  }
0x63: {  	_ =	shalt  }
0x64: {  	_ =	shalt  }
0x65: {  	_ =	shalt  }
0x66: {  	_ =	shalt  }
0x67: {  	_ =	shalt  }
0x68: {  	_ =	shalt  }
0x69: {  	_ =	shalt  }
0x6a: {  	_ =	shalt  }
0x6b: {  	_ =	shalt  }
0x6c: {  	_ =	shalt  }
0x6d: {  	_ =	shalt  }
0x6e: {  	_ =	shalt  }
0x6f: {  	_ =	shalt  }
0x70: {  	_ =	shalt  }
0x71: {  	_ =	shalt  }
0x72: {  	_ =	shalt  }
0x73: {  	_ =	shalt  }
0x74: {  	_ =	shalt  }
0x75: {  	_ =	shalt  }
0x76: {  	_ =	shalt  }
0x77: {  	_ =	shalt  }
0x78: {  	_ =	shalt  }
0x79: {  	_ =	shalt  }
0x7a: {  	_ =	shalt  }
0x7b: {  	_ =	shalt  }
0x7c: {  	_ =	shalt  }
0x7d: {  	_ =	shalt  }
0x7e: {  	_ =	shalt  }
0x7f: {  	_ =	shalt  }
0x80: {  	_ =	shalt  }
0x81: {  	_ =	shalt  }
0x82: {  	_ =	shalt  }
0x83: {  	_ =	shalt  }
0x84: {  	_ =	shalt  }
0x85: {  	_ =	shalt  }
0x86: {  	_ =	shalt  }
0x87: {  	_ =	shalt  }
.Lfunc_end0:
.L_simem_size_0:
called_computation_lowered:
.L_overlay_start_0:
0x88: {  	s2 =	sld [smem:$0x3FD9]  }
0x89: {  	s3 =	sld [smem:$0x3FFE];
	_ =	sdelay $0x1  }
0x8a: {  	s1 =	srdreg.scid  }
0x8b: {  	s0 =	sand.u32 $0x1, s1  }
0x8c: {  	s17 =	sshll.u32 s0, $0xA;
	s2 =	sadd.s32 s3, s2  }
0x8d: {  	s2 =	sadd.s32 s2, s17  }
0x8e: {  	[smem:$0x3FC0] =	sst s2  }
0x8f: {  	_ = 	snop  }
0x90: {  	s2 =	sld [smem:$0x3FC9]  }
0x91: {  	s18 =	sld [smem:$0x3FD0];
	(tm) =	ssettm $0x1  }
0x92: {  	s4 =	sld [smem:$0x3FFB];
	_ =	sdelay $0x3  }
0x93: {  	_ =	strace s4  }
0x94: {  	s4 =	sld [smem:$0x3FFC];
	_ =	sdelay $0x3  }
0x95: {  	_ =	strace s4  }
0x96: {  	s4 =	sld [smem:$0x3FFD];
	_ =	sdelay $0x3  }
0x97: {  	_ =	strace s4  }
0x98: {  	_ =	strace $0x8FFFFFFF  }
0x99: {  	s19 =	sld [smem:$0x3FDB];
	_ =	sdelay $0x1  }
0x9a: {  	s5 =	simm.s32 $_scs_section_size  }
0x9b: {  	s6 =	simm.s32 $_size__tile_overlayer_lowered;
	s7 =	simm.s32 $_tile_overlayer_lowered  }
0x9c: {  	s22 =	simm.s32 $0x1BFF;
	s21 =	sshll.u32 s7, $0x1;
	s4 =	sadd.s32 s5, s19  }
0x9d: {  	s8 =	simm.s32 $0x0;
	s20 =	sshll.u32 s6, $0x1;
	s6 =	sadd.s32 s21, s4  }
0x9e: {  	[timem:s8], [sflag:s22] =	dma.local [hbm:s6], s20  }
0x9f: {  	_ =	swait.ge [sflag:s22], s20  }
0xa0: {  	s5 =	ssub.s32 $0x0, s20;
	[sflag:s22] =	ssyncset.done $0x0  }
0xa1: {  	[sflag:s22] =	ssyncadd.s32 s5;
	_ =	sdelay $0x1  }
0xa2: {  	s23 =	simm.s32 $0x1B8B  }
0xa3: {  	_ =	swait.ge [sflag:s23], $0x1  }
0xa4: {  	[sflag:s23] =	ssyncset.done $0x0  }
0xa5: {  	s25 =	simm.s32 $0x1B8E;
	s24 =	sld [smem:$0x3FFE];
	[sflag:s23] =	ssyncadd.s32 $0xFFFFFFFF  }
0xa6: {  	s26 =	simm.s32 $execute0_lowered;
	[smem:$0x3FD2] =	sst s25  }
0xa7: {  	s6 =	sshll.u32 s26, $0x1;
	_ =	strace $0x80000046;
	[dreg:$0x1] =	wrdreg $0xFFFFFFFF  }
0xa8: {  	s28 =	simm.s32 $_size_execute0_lowered;
	s4 =	sadd.s32 s4, s6;
	[dreg:$0x0] =	wrdreg $0x0  }
0xa9: {  	s6 =	sshll.u32 s28, $0x1;
	[dreg:$0x2] =	wrdreg s4  }
0xaa: {  	[dreg:$0x3] =	wrdreg s6  }
0xab: {  	[dreg:$0x4] =	wrdreg $0xC0  }
0xac: {  	_ =	task [dreg:s8], $0x5FFFF  }
0xad: {  	[dreg:$0x1] =	wrdreg $0xFFFFFFFF  }
0xae: {  	[dreg:$0x0] =	wrdreg $0x60  }
0xaf: {  	[dreg:$0x2] =	wrdreg s18  }
0xb0: {  	[dreg:$0x3] =	wrdreg s2  }
0xb1: {  	[dreg:$0x4] =	wrdreg s24  }
0xb2: {  	[dreg:$0x5] =	wrdreg $0x9  }
0xb3: {  	_ =	task.clear_ibuf [dreg:s8], $0x6FFFF;
	_ =	strace $0x90000046  }
0xb4: {  	s29 =	simm.s32 $0x9;
	_ =	strace $0x80000048  }
0xb5: {  	_ =	swait.ge [sflag:s29], $0x1  }
0xb6: {  	[sflag:s29] =	ssyncadd.s32 $0xFFFFFFFF  }
0xb7: {  	_ =	strace $0x90000048  }
0xb8: {  	_ =	sfence  }
0xb9: {  	s30 =	sld [smem:$0x0];
	_ =	sdelay $0x2  }
0xba: {  	s31 =	sshll.u32 s1, $0xD;
	s1 =	sshrl.u32 s1, $0x2  }
0xbb: {  	s3 =	sand.u32 $0x4000, s31;
	s1 =	sadd.s32 s1, s30  }
0xbc: {  	s0 =	sor.u32 s3, s0;
	s1 =	sshll.u32 s1, $0x11  }
0xbd: {  	s0 =	sor.u32 s1, s0  }
0xbe: {  	s0 =	sadd.s32 $0x8F2B, s0  }
0xbf: {  	[sflag:s0] =	ssyncadd.remote.s32 $0x1  }
0xc0: {  	_ =	sfence.sel $0xFFFF  }
0xc1: {  	[dreg:$0x0] =	wrdreg $0xFFFFFFFF;
	(pc) =	sbr.abs _section_cstart, $3  }
0xc2: {  	[dreg:$0x1] =	wrdreg $0xFFFFFFFF  }
0xc3: {  	_ =	task.clear_ibuf [dreg:s8], $0x2FFFF;
	_ =	strace $0x9FFFFFFF  }
0xc4: {  	(tm) =	ssettm $0x7FFFFFFF  }
0xc5: {  	_ =	shalt  }
tec
execute0_lowered:
.L_overlay_start_1:
0x0: {  	(tag) =	ssettag $0x1  }
0x1: {  	s1 =	rddreg [dreg:$0x0];
	s2 =	srdreg.scid  }
0x2: {  	s4 =	rddreg [dreg:$0x1];
	s0 =	stileid.u32;
	s17 =	sand.u32 $0x1, s2  }
0x3: {  	s18 =	rddreg [dreg:$0x2];
	s5 =	sshll.u32 s0, $0xA;
	s6 =	sshll.u32 s17, $0x9  }
0x4: {  	s3 =	simm.s32 $0x0;
	s2 =	rddreg [dreg:$0x3];
	s19 =	sor.u32 s6, s5  }
0x5: {  	[smem:$0x7FF] =	sst s3;
	s5 =	sshrl.u32 s19, $0x3  }
0x6: {  	_ =	strace $0x80000047;
	s5 =	sadd.s32 s4, s5;
	s4 =	simm.s32 $0x2  }
0x7: {  	[tilespmem:s3], [sflag:$0x2] =	stream.linear.gather [hbm4b:s5+s3], $0x80, $0x38;
	[tilespmem:$0x10200] =	vst v63  }
0x8: {  	_ =	swait.ge [sflag:s4], $0x80  }
0x9: {  	[sflag:s4] =	ssyncset.done $0x0  }
0xa: {  	s7 =	simm.s32 $0x80;
	s6 =	sadd.s32 $0x10, s5;
	[sflag:s4] =	ssyncadd.s32 $0xFFFFFF80  }
0xb: {  	[tilespmem:s7], [sflag:$0x2] =	stream.linear.gather [hbm4b:s6+s3], $0x80, $0x38;
	[tilespmem:$0x10200] =	vst v63  }
0xc: {  	_ =	swait.ge [sflag:s4], $0x80  }
0xd: {  	[sflag:s4] =	ssyncset.done $0x0  }
0xe: {  	s9 =	simm.s32 $0x100;
	s8 =	sadd.s32 $0x20, s5;
	[sflag:s4] =	ssyncadd.s32 $0xFFFFFF80  }
0xf: {  	[tilespmem:s9], [sflag:$0x2] =	stream.linear.gather [hbm4b:s8+s3], $0x80, $0x38;
	[tilespmem:$0x10200] =	vst v63  }
0x10: {  	_ =	swait.ge [sflag:s4], $0x80  }
0x11: {  	[sflag:s4] =	ssyncset.done $0x0  }
0x12: {  	s11 =	simm.s32 $0x180;
	s10 =	sadd.s32 $0x30, s5;
	[sflag:s4] =	ssyncadd.s32 $0xFFFFFF80  }
0x13: {  	[tilespmem:s11], [sflag:$0x2] =	stream.linear.gather [hbm4b:s10+s3], $0x80, $0x38;
	[tilespmem:$0x10200] =	vst v63  }
0x14: {  	_ =	swait.ge [sflag:s4], $0x80  }
0x15: {  	[sflag:s4] =	ssyncset.done $0x0  }
0x16: {  	s12 =	simm.s32 $0x200;
	[sflag:s4] =	ssyncadd.s32 $0xFFFFFF80  }
0x17: {  	[tilespmem:s12], [sflag:$0x1] =	stream.indirect.gather [hbm4b:s1+s7], $0x80, s3, s7, $0xb8;
	[tilespmem:$0x10200] =	vst v63  }
0x18: {  	s13 =	simm.s32 $0x4200  }
0x19: {  	[tilespmem:s13], [sflag:$0x1] =	stream.indirect.gather [hbm4b:s1+s7], $0x80, s7, s7, $0xb8;
	[tilespmem:$0x10200] =	vst v63  }
0x1a: {  	s14 =	simm.s32 $0x8200  }
0x1b: {  	[tilespmem:s14], [sflag:$0x1] =	stream.indirect.gather [hbm4b:s1+s7], $0x80, s9, s7, $0xb8;
	[tilespmem:$0x10200] =	vst v63  }
0x1c: {  	s15 =	simm.s32 $0xC200;
	s16 =	simm.s32 $0x1  }
0x1d: {  	[tilespmem:s15], [sflag:$0x1] =	stream.indirect.gather [hbm4b:s1+s7], $0x80, s11, s7, $0xb8;
	[tilespmem:$0x10200] =	vst v63  }
0x1e: {  	_ =	swait.ge [sflag:s16], $0x4000  }
0x1f: {  	[sflag:s16] =	ssyncset.done $0x0  }
0x20: {  	[sflag:s16] =	ssyncadd.s32 $0xFFFFC000  }
0x21: {  	_ =	swait.ge [sflag:s16], $0x4000  }
0x22: {  	[sflag:s16] =	ssyncset.done $0x0  }
0x23: {  	s17 =	ssub.s32 $0x2, s17;
	[sflag:s16] =	ssyncadd.s32 $0xFFFFC000  }
0x24: {  	s20 =	sshrl.u32 s17, $0x1;
	_ =	swait.ge [sflag:s16], $0x4000  }
0x25: {  	s30 =	ssub.s32 s17, s20;
	[sflag:s16] =	ssyncset.done $0x0  }
0x26: {  	s31 =	smax.u32 s30, $0x1;
	[sflag:s16] =	ssyncadd.s32 $0xFFFFC000  }
0x27: {  	s19 =	sshll.u32 s19, $0x4;
	p0 =	sne.s32 s31, $0x1;
	_ =	swait.ge [sflag:s16], $0x4000  }
.Ltmp0:
0x28: {  	s18 =	sadd.s32 s19, s18;
	[sflag:s16] =	ssyncset.done $0x0;
	(pc) =	sbr.rel @!p0 .LBB2_2-.Ltmp0, $4  }
0x29: {  	s17 =	sadd.s32 $0x1000, s18;
	[sflag:s16] =	ssyncadd.s32 $0xFFFFC000  }
0x2a: {  	[hbm4b:s17+s3] =	stream.linear.scatter [tilespmem:s12], [sflag:$0x2], $0x10000, $0x38;
	[tilespmem:$0x10200] =	vst v63  }
0x2b: {  	_ =	swait.ge [sflag:s4], $0x10000  }
0x2c: {  	s18 =	sadd.s32 $0xFFFFFFFF, s31;
	[sflag:s4] =	ssyncset.done $0x0  }
.LBB2_1:
0x2d: {  	p0 =	sne.s32 s18, $0x1;
	s18 =	sadd.s32 $0xFFFFFFFF, s18;
	[sflag:s4] =	ssyncadd.s32 $0xFFFF0000  }
0x2e: {  	[tilespmem:s3], [sflag:$0x2] =	stream.linear.gather [hbm4b:s5+s3], $0x80, $0x38;
	[tilespmem:$0x10200] =	vst v63  }
0x2f: {  	_ =	swait.ge [sflag:s4], $0x80  }
0x30: {  	[sflag:s4] =	ssyncset.done $0x0  }
0x31: {  	[sflag:s4] =	ssyncadd.s32 $0xFFFFFF80  }
0x32: {  	[tilespmem:s7], [sflag:$0x2] =	stream.linear.gather [hbm4b:s6+s3], $0x80, $0x38;
	[tilespmem:$0x10200] =	vst v63  }
0x33: {  	_ =	swait.ge [sflag:s4], $0x80  }
0x34: {  	[sflag:s4] =	ssyncset.done $0x0  }
0x35: {  	[sflag:s4] =	ssyncadd.s32 $0xFFFFFF80  }
0x36: {  	[tilespmem:s9], [sflag:$0x2] =	stream.linear.gather [hbm4b:s8+s3], $0x80, $0x38;
	[tilespmem:$0x10200] =	vst v63  }
0x37: {  	_ =	swait.ge [sflag:s4], $0x80  }
0x38: {  	[sflag:s4] =	ssyncset.done $0x0  }
0x39: {  	[sflag:s4] =	ssyncadd.s32 $0xFFFFFF80  }
0x3a: {  	[tilespmem:s11], [sflag:$0x2] =	stream.linear.gather [hbm4b:s10+s3], $0x80, $0x38;
	[tilespmem:$0x10200] =	vst v63  }
0x3b: {  	_ =	swait.ge [sflag:s4], $0x80  }
0x3c: {  	[sflag:s4] =	ssyncset.done $0x0  }
0x3d: {  	[sflag:s4] =	ssyncadd.s32 $0xFFFFFF80  }
0x3e: {  	[tilespmem:s12], [sflag:$0x1] =	stream.indirect.gather [hbm4b:s1+s7], $0x80, s3, s7, $0xb8;
	[tilespmem:$0x10200] =	vst v63  }
0x3f: {  	_ = 	snop  }
0x40: {  	[tilespmem:s13], [sflag:$0x1] =	stream.indirect.gather [hbm4b:s1+s7], $0x80, s7, s7, $0xb8;
	[tilespmem:$0x10200] =	vst v63  }
0x41: {  	_ = 	snop  }
0x42: {  	[tilespmem:s14], [sflag:$0x1] =	stream.indirect.gather [hbm4b:s1+s7], $0x80, s9, s7, $0xb8;
	[tilespmem:$0x10200] =	vst v63  }
0x43: {  	_ = 	snop  }
0x44: {  	[tilespmem:s15], [sflag:$0x1] =	stream.indirect.gather [hbm4b:s1+s7], $0x80, s11, s7, $0xb8;
	[tilespmem:$0x10200] =	vst v63  }
0x45: {  	_ =	swait.ge [sflag:s16], $0x4000  }
0x46: {  	[sflag:s16] =	ssyncset.done $0x0  }
0x47: {  	[sflag:s16] =	ssyncadd.s32 $0xFFFFC000  }
0x48: {  	_ =	swait.ge [sflag:s16], $0x4000  }
0x49: {  	[sflag:s16] =	ssyncset.done $0x0  }
0x4a: {  	[sflag:s16] =	ssyncadd.s32 $0xFFFFC000  }
0x4b: {  	_ =	swait.ge [sflag:s16], $0x4000  }
0x4c: {  	[sflag:s16] =	ssyncset.done $0x0  }
0x4d: {  	[sflag:s16] =	ssyncadd.s32 $0xFFFFC000  }
0x4e: {  	_ =	swait.ge [sflag:s16], $0x4000  }
.Ltmp1:
0x4f: {  	[sflag:s16] =	ssyncset.done $0x0;
	(pc) =	sbr.rel @p0 .LBB2_1-.Ltmp1, $4  }
0x50: {  	[sflag:s16] =	ssyncadd.s32 $0xFFFFC000  }
0x51: {  	[hbm4b:s17+s3] =	stream.linear.scatter [tilespmem:s12], [sflag:$0x2], $0x10000, $0x38;
	[tilespmem:$0x10200] =	vst v63  }
0x52: {  	_ =	swait.ge [sflag:s4], $0x10000  }
0x53: {  	[sflag:s4] =	ssyncset.done $0x0  }
.LBB2_2:
0x54: {  	[sflag:s4] =	ssyncadd.s32 $0xFFFF0000  }
0x55: {  	_ =	sfence.sel $0x180000  }
0x56: {  	[bflag:$0x0] =	sbarrier.arrive $0xFFFF  }
0x57: {  	p0 =	sne.s32 s0, $0x0;
	_ =	strace $0x90000047  }
0x58: {  	s0 =	sadd.s32 @!p0 $0x100000, s2;
	[bflag:$0x2] =	sbarrier.arrive $0xFFFF  }
0x59: {  	[sflag:s0] =	ssyncadd.tile.s32 @!p0 $0x1;
	_ =	shalt  }
.Lfunc_end2:
_tile_overlayer_lowered:
.L_overlay_start_2:
0x5a: {  	(tag) =	ssettag $0x2  }
0x5b: {  	s0 =	rddreg [dreg:$0x0];
	s2 =	stileid.u32  }
0x5c: {  	s1 =	rddreg [dreg:$0x1];
	p0 =	sne.s32 s2, $0x0  }
0x5d: {  	s3 =	rddreg [dreg:$0x2];
	[bflag:$0x3] =	sbarrier.arrive $0xFFFF;
	s2 =	simm.s32 @!p0 $0x1C02  }
0x5e: {  	[timem:s3], [sflag:s2] =	dma.local @!p0 [hbm:s0], s1  }
0x5f: {  	s0 =	simm.s32 @!p0 $0x2  }
0x60: {  	_ =	swait.ge @!p0 [sflag:s0], s1  }
0x61: {  	s1 =	ssub.s32 @!p0 $0x0, s1;
	[sflag:s0] =	ssyncset.done @!p0 $0x0  }
0x62: {  	[sflag:s0] =	ssyncadd.s32 @!p0 s1  }
0x63: {  	[bflag:$0x3] =	sbarrier.arrive $0xFFFF  }
0x64: {  	_ =	shalt  }

</sc_bundles>
